<compile_context>
chip_gen: v7x
topology: tpu7x:2x2x1
jax: 0.10.2.dev20260603
libtpu: 0.0.44.dev20260713+nightly
codegen_flags: <defaults>
</compile_context>

<pallas_src>
import functools

import jax
import jax.numpy as jnp
from jax import lax
from jax.experimental import pallas as pl
from jax.experimental.pallas import tpu as pltpu
from jax.experimental.pallas import tpu_sc as plsc

VOCAB = 89
BATCH = 4096
HIST = 50
EMBED = 64
TOTAL = BATCH * HIST
NUM_WORKERS = 32
PER_WORKER = TOTAL // NUM_WORKERS
CHUNK = 128
NCHUNKS = PER_WORKER // CHUNK
NBUF = 6
LOOKAHEAD = 3

_mesh = plsc.VectorSubcoreMesh(core_axis_name="c", subcore_axis_name="s")


@functools.partial(
    pl.kernel,
    out_type=jax.ShapeDtypeStruct((TOTAL, EMBED), jnp.float32),
    mesh=_mesh,
    scratch_types=[
        pltpu.VMEM((NCHUNKS, CHUNK), jnp.int32),
        pltpu.VMEM((NBUF, CHUNK, EMBED), jnp.float32),
        pltpu.VMEM((VOCAB, EMBED), jnp.float32),
        pltpu.VMEM_SHARED((VOCAB, EMBED), jnp.float32),
        pltpu.SemaphoreType.DMA,
        pltpu.SemaphoreType.DMA,
    ],
    compiler_params=pltpu.CompilerParams(use_tc_tiling_on_sc=False),
)
def _emb_lookup(idx_hbm, table_hbm, out_hbm, idx_v, rows_v, tab_v, tab_sh, gsem, wsem):
    wid = lax.axis_index("s") * 2 + lax.axis_index("c")
    base = wid * PER_WORKER

    @pl.when(lax.axis_index("s") == 0)
    def _():
        pltpu.sync_copy(table_hbm, tab_v)
        pltpu.sync_copy(tab_v, tab_sh)

    plsc.subcore_barrier()

    pltpu.sync_copy(idx_hbm.at[wid], idx_v)

    def gather(j, buf):
        pltpu.async_copy(tab_sh.at[idx_v.at[j]], rows_v.at[buf], gsem)

    def write(j, buf):
        pltpu.async_copy(
            rows_v.at[buf], out_hbm.at[pl.ds(base + j * CHUNK, CHUNK)], wsem
        )

    def wait_gather():
        pltpu.make_async_copy(
            out_hbm.at[pl.ds(base, CHUNK)], rows_v.at[0], gsem
        ).wait()

    def wait_write():
        pltpu.make_async_copy(
            rows_v.at[0], out_hbm.at[pl.ds(base, CHUNK)], wsem
        ).wait()

    for b in range(LOOKAHEAD):
        gather(b, b)

    def body(j, carry):
        wait_gather()
        nj = j + LOOKAHEAD

        @pl.when(nj < NCHUNKS)
        def _():
            @pl.when(nj >= NBUF)
            def _():
                wait_write()

            gather(nj, lax.rem(nj, NBUF))

        write(j, lax.rem(j, NBUF))
        return carry

    lax.fori_loop(0, NCHUNKS, body, 0)

    for _ in range(NBUF):
        wait_write()


def kernel(x, table):
    idx = x.reshape(NUM_WORKERS, NCHUNKS, CHUNK).astype(jnp.int32)
    out = _emb_lookup(idx, table)
    return out.reshape(BATCH, HIST, EMBED)

# --- scband reference (transcript-rebuilt; emitter-appended) ---
"""Pipeline reference for scband-prev-action-emb-27238682592039 (READ-ONLY COPY).

The authoritative reference and input builder live on the scoring server;
editing this copy changes nothing except your own understanding.
"""

import jax, jax.numpy as jnp
import numpy as np

VOCAB = 89
EMBED_DIM = 64
BATCH = 4096
HIST = 50

def setup_inputs(seed: int = 0) -> dict:
    key = jax.random.key(seed)
    k_idx, k_tab = jax.random.split(key)
    x = jax.random.randint(k_idx, (BATCH, HIST), 0, VOCAB, dtype=jnp.int64)
    table = jax.random.normal(k_tab, (VOCAB, EMBED_DIM), dtype=jnp.float32)
    return {"x": x, "table": table}

def reference(x, table):
    # PrevActionEmb.forward: squeeze trailing singleton dim if present, then embed
    if x.ndim > 1 and x.shape[-1] == 1:
        x = x[..., 0]
    emb = jnp.take(table, x, axis=0)
    # Original returns (emb, None); return the embedding tensor (the None is a placeholder)
    return emb

if __name__ == "__main__":
    import jax
    _d = setup_inputs()
    print(jax.jit(kernel)(*tuple(_d.values())))

</pallas_src>

<mosaic_0001>
#map = affine_map<(d0, d1) -> (0, 0, 0)>
#map1 = affine_map<(d0, d1) -> (0, 0)>
module attributes {stable_mosaic.version = 14 : i64} {
  func.func @_emb_lookup(%arg0: i32, %arg1: i32, %arg2: memref<32x50x128xi32, #tpu.memory_space<hbm>>, %arg3: memref<89x64xf32, #tpu.memory_space<hbm>>, %arg4: memref<204800x64xf32, #tpu.memory_space<hbm>>, %arg5: memref<50x128xi32, #tpu.memory_space<vmem>>, %arg6: memref<6x128x64xf32, #tpu.memory_space<vmem>>, %arg7: memref<89x64xf32, #tpu.memory_space<vmem>>, %arg8: memref<89x64xf32, #tpu.memory_space<vmem_shared>>, %arg9: memref<!tpu.dma_semaphore, #tpu.memory_space<semaphore_mem>>, %arg10: memref<!tpu.dma_semaphore, #tpu.memory_space<semaphore_mem>>) attributes {dimension_semantics = [#tpu.dimension_semantics<core_parallel>, #tpu.dimension_semantics<subcore_parallel>], iteration_bounds = array<i64: 2, 16>, scalar_prefetch = 0 : i64, scratch_operands = 6 : i64, tpu.core_type = #tpu.core_type<sc_vector_subcore>, window_params = [{transform_indices = #map}, {transform_indices = #map1}, {transform_indices = #map1}]} {
    %mul3A = arith.constant 2 : i32
    %mul3A_0 = arith.muli %arg1, %mul3A : i32
    %add3A = arith.addi %mul3A_0, %arg0 : i32
    %mul3A_1 = arith.constant 6400 : i32
    %mul3A_2 = arith.muli %add3A, %mul3A_1 : i32
    %eq3A = arith.constant 0 : i32
    %eq3A_3 = arith.cmpi eq, %arg1, %eq3A : i32
    %convert_element_type3A = arith.extui %eq3A_3 : i1 to i32
    %cond3A = arith.constant 0 : i32
    %cond3A_4 = arith.cmpi ne, %convert_element_type3A, %cond3A : i32
    scf.if %cond3A_4 {
      "tpu.region"() ({
        %run_scoped3A = tpu.sem_alloc : memref<!tpu.dma_semaphore, #tpu.memory_space<semaphore_mem>>
        tpu.enqueue_dma source(%arg3 : memref<89x64xf32, #tpu.memory_space<hbm>>) target(%arg7 : memref<89x64xf32, #tpu.memory_space<vmem>>) target_semaphore(%run_scoped3A : memref<!tpu.dma_semaphore, #tpu.memory_space<semaphore_mem>>)
        tpu.wait_dma2 semaphore(%run_scoped3A : memref<!tpu.dma_semaphore, #tpu.memory_space<semaphore_mem>>) src(%arg3 : memref<89x64xf32, #tpu.memory_space<hbm>>) dst(%arg7 : memref<89x64xf32, #tpu.memory_space<vmem>>)
        tpu.yield
      }) : () -> ()
      "tpu.region"() ({
        %run_scoped3A = tpu.sem_alloc : memref<!tpu.dma_semaphore, #tpu.memory_space<semaphore_mem>>
        tpu.enqueue_dma source(%arg7 : memref<89x64xf32, #tpu.memory_space<vmem>>) target(%arg8 : memref<89x64xf32, #tpu.memory_space<vmem_shared>>) target_semaphore(%run_scoped3A : memref<!tpu.dma_semaphore, #tpu.memory_space<semaphore_mem>>)
        tpu.wait_dma2 semaphore(%run_scoped3A : memref<!tpu.dma_semaphore, #tpu.memory_space<semaphore_mem>>) src(%arg7 : memref<89x64xf32, #tpu.memory_space<vmem>>) dst(%arg8 : memref<89x64xf32, #tpu.memory_space<vmem_shared>>)
        tpu.yield
      }) : () -> ()
    } else {
    }
    %barrier3A = arith.constant 0 : index
    tpu.barrier barrier_id(%barrier3A)
    "tpu.region"() ({
      %run_scoped3A = tpu.sem_alloc : memref<!tpu.dma_semaphore, #tpu.memory_space<semaphore_mem>>
      %dma_start3A_122 = arith.constant 0 : i32
      %dma_start3A_123 = arith.constant 0 : i32
      %dma_start3A_124 = tpu.memref_slice %arg2[%add3A, %dma_start3A_122, %dma_start3A_123] : memref<32x50x128xi32, #tpu.memory_space<hbm>> -> memref<1x50x128xi32, #tpu.memory_space<hbm>>
      %dma_start3A_125 = tpu.memref_squeeze %dma_start3A_124 : memref<1x50x128xi32, #tpu.memory_space<hbm>> -> memref<50x128xi32, #tpu.memory_space<hbm>>
      %dma_start3A_126 = arith.constant 0 : i32
      %dma_start3A_127 = arith.constant 0 : i32
      %dma_start3A_128 = tpu.memref_slice %arg2[%add3A, %dma_start3A_126, %dma_start3A_127] : memref<32x50x128xi32, #tpu.memory_space<hbm>> -> memref<1x50x128xi32, #tpu.memory_space<hbm>>
      %dma_start3A_129 = tpu.memref_squeeze %dma_start3A_128 : memref<1x50x128xi32, #tpu.memory_space<hbm>> -> memref<50x128xi32, #tpu.memory_space<hbm>>
      tpu.enqueue_dma source(%dma_start3A_129 : memref<50x128xi32, #tpu.memory_space<hbm>>) target(%arg5 : memref<50x128xi32, #tpu.memory_space<vmem>>) target_semaphore(%run_scoped3A : memref<!tpu.dma_semaphore, #tpu.memory_space<semaphore_mem>>)
      %dma_wait3A_130 = arith.constant 0 : i32
      %dma_wait3A_131 = arith.constant 0 : i32
      %dma_wait3A_132 = tpu.memref_slice %arg2[%add3A, %dma_wait3A_130, %dma_wait3A_131] : memref<32x50x128xi32, #tpu.memory_space<hbm>> -> memref<1x50x128xi32, #tpu.memory_space<hbm>>
      %dma_wait3A_133 = tpu.memref_squeeze %dma_wait3A_132 : memref<1x50x128xi32, #tpu.memory_space<hbm>> -> memref<50x128xi32, #tpu.memory_space<hbm>>
      %dma_wait3A_134 = arith.constant 0 : i32
      %dma_wait3A_135 = arith.constant 0 : i32
      %dma_wait3A_136 = tpu.memref_slice %arg2[%add3A, %dma_wait3A_134, %dma_wait3A_135] : memref<32x50x128xi32, #tpu.memory_space<hbm>> -> memref<1x50x128xi32, #tpu.memory_space<hbm>>
      %dma_wait3A_137 = tpu.memref_squeeze %dma_wait3A_136 : memref<1x50x128xi32, #tpu.memory_space<hbm>> -> memref<50x128xi32, #tpu.memory_space<hbm>>
      tpu.wait_dma2 semaphore(%run_scoped3A : memref<!tpu.dma_semaphore, #tpu.memory_space<semaphore_mem>>) src(%dma_wait3A_137 : memref<50x128xi32, #tpu.memory_space<hbm>>) dst(%arg5 : memref<50x128xi32, #tpu.memory_space<vmem>>)
      tpu.yield
    }) : () -> ()
    %dma_start3A = arith.constant 0 : i32
    %dma_start3A_5 = arith.constant 0 : i32
    %dma_start3A_6 = arith.constant 0 : i32
    %dma_start3A_7 = arith.constant 0 : i32
    %dma_start3A_8 = tpu.memref_slice %arg6[%dma_start3A_5, %dma_start3A_6, %dma_start3A_7] : memref<6x128x64xf32, #tpu.memory_space<vmem>> -> memref<1x128x64xf32, #tpu.memory_space<vmem>>
    %dma_start3A_9 = tpu.memref_squeeze %dma_start3A_8 : memref<1x128x64xf32, #tpu.memory_space<vmem>> -> memref<128x64xf32, #tpu.memory_space<vmem>>
    %dma_start3A_10 = arith.constant 0 : i32
    %dma_start3A_11 = tpu.memref_slice %arg5[%dma_start3A, %dma_start3A_10] : memref<50x128xi32, #tpu.memory_space<vmem>> -> memref<1x128xi32, #tpu.memory_space<vmem>>
    %dma_start3A_12 = tpu.memref_squeeze %dma_start3A_11 : memref<1x128xi32, #tpu.memory_space<vmem>> -> memref<128xi32, #tpu.memory_space<vmem>>
    %dma_start3A_13 = arith.constant 0 : i32
    %dma_start3A_14 = arith.constant 0 : i32
    %dma_start3A_15 = tpu.memref_slice %arg8[%dma_start3A_13, %dma_start3A_14] : memref<89x64xf32, #tpu.memory_space<vmem_shared>> -> memref<89x64xf32, #tpu.memory_space<vmem_shared>>
    tpu.enqueue_indirect_dma source(%dma_start3A_15 : memref<89x64xf32, #tpu.memory_space<vmem_shared>>) target(%dma_start3A_9 : memref<128x64xf32, #tpu.memory_space<vmem>>) offsets(%dma_start3A_12 : memref<128xi32, #tpu.memory_space<vmem>>) semaphore(%arg9 : memref<!tpu.dma_semaphore, #tpu.memory_space<semaphore_mem>>)
    %dma_start3A_16 = arith.constant 1 : i32
    %dma_start3A_17 = arith.constant 1 : i32
    %dma_start3A_18 = arith.constant 0 : i32
    %dma_start3A_19 = arith.constant 0 : i32
    %dma_start3A_20 = tpu.memref_slice %arg6[%dma_start3A_17, %dma_start3A_18, %dma_start3A_19] : memref<6x128x64xf32, #tpu.memory_space<vmem>> -> memref<1x128x64xf32, #tpu.memory_space<vmem>>
    %dma_start3A_21 = tpu.memref_squeeze %dma_start3A_20 : memref<1x128x64xf32, #tpu.memory_space<vmem>> -> memref<128x64xf32, #tpu.memory_space<vmem>>
    %dma_start3A_22 = arith.constant 0 : i32
    %dma_start3A_23 = tpu.memref_slice %arg5[%dma_start3A_16, %dma_start3A_22] : memref<50x128xi32, #tpu.memory_space<vmem>> -> memref<1x128xi32, #tpu.memory_space<vmem>>
    %dma_start3A_24 = tpu.memref_squeeze %dma_start3A_23 : memref<1x128xi32, #tpu.memory_space<vmem>> -> memref<128xi32, #tpu.memory_space<vmem>>
    %dma_start3A_25 = arith.constant 0 : i32
    %dma_start3A_26 = arith.constant 0 : i32
    %dma_start3A_27 = tpu.memref_slice %arg8[%dma_start3A_25, %dma_start3A_26] : memref<89x64xf32, #tpu.memory_space<vmem_shared>> -> memref<89x64xf32, #tpu.memory_space<vmem_shared>>
    tpu.enqueue_indirect_dma source(%dma_start3A_27 : memref<89x64xf32, #tpu.memory_space<vmem_shared>>) target(%dma_start3A_21 : memref<128x64xf32, #tpu.memory_space<vmem>>) offsets(%dma_start3A_24 : memref<128xi32, #tpu.memory_space<vmem>>) semaphore(%arg9 : memref<!tpu.dma_semaphore, #tpu.memory_space<semaphore_mem>>)
    %dma_start3A_28 = arith.constant 2 : i32
    %dma_start3A_29 = arith.constant 2 : i32
    %dma_start3A_30 = arith.constant 0 : i32
    %dma_start3A_31 = arith.constant 0 : i32
    %dma_start3A_32 = tpu.memref_slice %arg6[%dma_start3A_29, %dma_start3A_30, %dma_start3A_31] : memref<6x128x64xf32, #tpu.memory_space<vmem>> -> memref<1x128x64xf32, #tpu.memory_space<vmem>>
    %dma_start3A_33 = tpu.memref_squeeze %dma_start3A_32 : memref<1x128x64xf32, #tpu.memory_space<vmem>> -> memref<128x64xf32, #tpu.memory_space<vmem>>
    %dma_start3A_34 = arith.constant 0 : i32
    %dma_start3A_35 = tpu.memref_slice %arg5[%dma_start3A_28, %dma_start3A_34] : memref<50x128xi32, #tpu.memory_space<vmem>> -> memref<1x128xi32, #tpu.memory_space<vmem>>
    %dma_start3A_36 = tpu.memref_squeeze %dma_start3A_35 : memref<1x128xi32, #tpu.memory_space<vmem>> -> memref<128xi32, #tpu.memory_space<vmem>>
    %dma_start3A_37 = arith.constant 0 : i32
    %dma_start3A_38 = arith.constant 0 : i32
    %dma_start3A_39 = tpu.memref_slice %arg8[%dma_start3A_37, %dma_start3A_38] : memref<89x64xf32, #tpu.memory_space<vmem_shared>> -> memref<89x64xf32, #tpu.memory_space<vmem_shared>>
    tpu.enqueue_indirect_dma source(%dma_start3A_39 : memref<89x64xf32, #tpu.memory_space<vmem_shared>>) target(%dma_start3A_33 : memref<128x64xf32, #tpu.memory_space<vmem>>) offsets(%dma_start3A_36 : memref<128xi32, #tpu.memory_space<vmem>>) semaphore(%arg9 : memref<!tpu.dma_semaphore, #tpu.memory_space<semaphore_mem>>)
    %scan3A = arith.constant 0 : i32
    %scan3A_40 = arith.constant 0 : i32
    %scan3A_41 = arith.constant 50 : i32
    %scan3A_42 = arith.addi %scan3A_40, %scan3A_41 : i32
    %scan3A_43 = arith.constant 1 : i32
    scf.for %scan3A_122 = %scan3A_40 to %scan3A_42 step %scan3A_43  : i32 {
      %dma_wait3A_123 = arith.constant 0 : i32
      %dma_wait3A_124 = arith.constant 0 : i32
      %dma_wait3A_125 = arith.constant 0 : i32
      %dma_wait3A_126 = tpu.memref_slice %arg6[%dma_wait3A_123, %dma_wait3A_124, %dma_wait3A_125] : memref<6x128x64xf32, #tpu.memory_space<vmem>> -> memref<1x128x64xf32, #tpu.memory_space<vmem>>
      %dma_wait3A_127 = tpu.memref_squeeze %dma_wait3A_126 : memref<1x128x64xf32, #tpu.memory_space<vmem>> -> memref<128x64xf32, #tpu.memory_space<vmem>>
      %dma_wait3A_128 = arith.constant 0 : i32
      %dma_wait3A_129 = tpu.memref_slice %arg4[%mul3A_2, %dma_wait3A_128] : memref<204800x64xf32, #tpu.memory_space<hbm>> -> memref<128x64xf32, #tpu.memory_space<hbm>>
      %dma_wait3A_130 = arith.constant 0 : i32
      %dma_wait3A_131 = arith.constant 0 : i32
      %dma_wait3A_132 = tpu.memref_slice %arg6[%dma_wait3A_123, %dma_wait3A_130, %dma_wait3A_131] : memref<6x128x64xf32, #tpu.memory_space<vmem>> -> memref<1x128x64xf32, #tpu.memory_space<vmem>>
      %dma_wait3A_133 = tpu.memref_squeeze %dma_wait3A_132 : memref<1x128x64xf32, #tpu.memory_space<vmem>> -> memref<128x64xf32, #tpu.memory_space<vmem>>
      %dma_wait3A_134 = arith.constant 0 : i32
      %dma_wait3A_135 = tpu.memref_slice %arg4[%mul3A_2, %dma_wait3A_134] : memref<204800x64xf32, #tpu.memory_space<hbm>> -> memref<128x64xf32, #tpu.memory_space<hbm>>
      tpu.wait_dma2 semaphore(%arg9 : memref<!tpu.dma_semaphore, #tpu.memory_space<semaphore_mem>>) src(%dma_wait3A_135 : memref<128x64xf32, #tpu.memory_space<hbm>>) dst(%dma_wait3A_133 : memref<128x64xf32, #tpu.memory_space<vmem>>)
      %add3A_136 = arith.constant 3 : i32
      %add3A_137 = arith.addi %scan3A_122, %add3A_136 : i32
      %lt3A = arith.constant 50 : i32
      %lt3A_138 = arith.cmpi slt, %add3A_137, %lt3A : i32
      %convert_element_type3A_139 = arith.extui %lt3A_138 : i1 to i32
      %cond3A_140 = arith.constant 0 : i32
      %cond3A_141 = arith.cmpi ne, %convert_element_type3A_139, %cond3A_140 : i32
      scf.if %cond3A_141 {
        %ge3A = arith.constant 6 : i32
        %ge3A_158 = arith.cmpi sge, %add3A_137, %ge3A : i32
        %convert_element_type3A_159 = arith.extui %ge3A_158 : i1 to i32
        %cond3A_160 = arith.constant 0 : i32
        %cond3A_161 = arith.cmpi ne, %convert_element_type3A_159, %cond3A_160 : i32
        scf.if %cond3A_161 {
          %dma_wait3A_174 = arith.constant 0 : i32
          %dma_wait3A_175 = arith.constant 0 : i32
          %dma_wait3A_176 = arith.constant 0 : i32
          %dma_wait3A_177 = tpu.memref_slice %arg6[%dma_wait3A_174, %dma_wait3A_175, %dma_wait3A_176] : memref<6x128x64xf32, #tpu.memory_space<vmem>> -> memref<1x128x64xf32, #tpu.memory_space<vmem>>
          %dma_wait3A_178 = tpu.memref_squeeze %dma_wait3A_177 : memref<1x128x64xf32, #tpu.memory_space<vmem>> -> memref<128x64xf32, #tpu.memory_space<vmem>>
          %dma_wait3A_179 = arith.constant 0 : i32
          %dma_wait3A_180 = tpu.memref_slice %arg4[%mul3A_2, %dma_wait3A_179] : memref<204800x64xf32, #tpu.memory_space<hbm>> -> memref<128x64xf32, #tpu.memory_space<hbm>>
          %dma_wait3A_181 = arith.constant 0 : i32
          %dma_wait3A_182 = tpu.memref_slice %arg4[%mul3A_2, %dma_wait3A_181] : memref<204800x64xf32, #tpu.memory_space<hbm>> -> memref<128x64xf32, #tpu.memory_space<hbm>>
          %dma_wait3A_183 = arith.constant 0 : i32
          %dma_wait3A_184 = arith.constant 0 : i32
          %dma_wait3A_185 = tpu.memref_slice %arg6[%dma_wait3A_174, %dma_wait3A_183, %dma_wait3A_184] : memref<6x128x64xf32, #tpu.memory_space<vmem>> -> memref<1x128x64xf32, #tpu.memory_space<vmem>>
          %dma_wait3A_186 = tpu.memref_squeeze %dma_wait3A_185 : memref<1x128x64xf32, #tpu.memory_space<vmem>> -> memref<128x64xf32, #tpu.memory_space<vmem>>
          tpu.wait_dma2 semaphore(%arg10 : memref<!tpu.dma_semaphore, #tpu.memory_space<semaphore_mem>>) src(%dma_wait3A_186 : memref<128x64xf32, #tpu.memory_space<vmem>>) dst(%dma_wait3A_182 : memref<128x64xf32, #tpu.memory_space<hbm>>)
        } else {
        }
        %rem3A_162 = arith.constant 6 : i32
        %rem3A_163 = arith.remsi %add3A_137, %rem3A_162 : i32
        %dma_start3A_164 = arith.constant 0 : i32
        %dma_start3A_165 = arith.constant 0 : i32
        %dma_start3A_166 = tpu.memref_slice %arg6[%rem3A_163, %dma_start3A_164, %dma_start3A_165] : memref<6x128x64xf32, #tpu.memory_space<vmem>> -> memref<1x128x64xf32, #tpu.memory_space<vmem>>
        %dma_start3A_167 = tpu.memref_squeeze %dma_start3A_166 : memref<1x128x64xf32, #tpu.memory_space<vmem>> -> memref<128x64xf32, #tpu.memory_space<vmem>>
        %dma_start3A_168 = arith.constant 0 : i32
        %dma_start3A_169 = tpu.memref_slice %arg5[%add3A_137, %dma_start3A_168] : memref<50x128xi32, #tpu.memory_space<vmem>> -> memref<1x128xi32, #tpu.memory_space<vmem>>
        %dma_start3A_170 = tpu.memref_squeeze %dma_start3A_169 : memref<1x128xi32, #tpu.memory_space<vmem>> -> memref<128xi32, #tpu.memory_space<vmem>>
        %dma_start3A_171 = arith.constant 0 : i32
        %dma_start3A_172 = arith.constant 0 : i32
        %dma_start3A_173 = tpu.memref_slice %arg8[%dma_start3A_171, %dma_start3A_172] : memref<89x64xf32, #tpu.memory_space<vmem_shared>> -> memref<89x64xf32, #tpu.memory_space<vmem_shared>>
        tpu.enqueue_indirect_dma source(%dma_start3A_173 : memref<89x64xf32, #tpu.memory_space<vmem_shared>>) target(%dma_start3A_167 : memref<128x64xf32, #tpu.memory_space<vmem>>) offsets(%dma_start3A_170 : memref<128xi32, #tpu.memory_space<vmem>>) semaphore(%arg9 : memref<!tpu.dma_semaphore, #tpu.memory_space<semaphore_mem>>)
      } else {
      }
      %rem3A = arith.constant 6 : i32
      %rem3A_142 = arith.remsi %scan3A_122, %rem3A : i32
      %mul3A_143 = arith.constant 128 : i32
      %mul3A_144 = arith.muli %scan3A_122, %mul3A_143 : i32
      %add3A_145 = arith.addi %mul3A_2, %mul3A_144 : i32
      %dma_start3A_146 = arith.constant 0 : i32
      %dma_start3A_147 = arith.constant 0 : i32
      %dma_start3A_148 = tpu.memref_slice %arg6[%rem3A_142, %dma_start3A_146, %dma_start3A_147] : memref<6x128x64xf32, #tpu.memory_space<vmem>> -> memref<1x128x64xf32, #tpu.memory_space<vmem>>
      %dma_start3A_149 = tpu.memref_squeeze %dma_start3A_148 : memref<1x128x64xf32, #tpu.memory_space<vmem>> -> memref<128x64xf32, #tpu.memory_space<vmem>>
      %dma_start3A_150 = arith.constant 0 : i32
      %dma_start3A_151 = tpu.memref_slice %arg4[%add3A_145, %dma_start3A_150] : memref<204800x64xf32, #tpu.memory_space<hbm>> -> memref<128x64xf32, #tpu.memory_space<hbm>>
      %dma_start3A_152 = arith.constant 0 : i32
      %dma_start3A_153 = tpu.memref_slice %arg4[%add3A_145, %dma_start3A_152] : memref<204800x64xf32, #tpu.memory_space<hbm>> -> memref<128x64xf32, #tpu.memory_space<hbm>>
      %dma_start3A_154 = arith.constant 0 : i32
      %dma_start3A_155 = arith.constant 0 : i32
      %dma_start3A_156 = tpu.memref_slice %arg6[%rem3A_142, %dma_start3A_154, %dma_start3A_155] : memref<6x128x64xf32, #tpu.memory_space<vmem>> -> memref<1x128x64xf32, #tpu.memory_space<vmem>>
      %dma_start3A_157 = tpu.memref_squeeze %dma_start3A_156 : memref<1x128x64xf32, #tpu.memory_space<vmem>> -> memref<128x64xf32, #tpu.memory_space<vmem>>
      tpu.enqueue_dma source(%dma_start3A_157 : memref<128x64xf32, #tpu.memory_space<vmem>>) target(%dma_start3A_153 : memref<128x64xf32, #tpu.memory_space<hbm>>) target_semaphore(%arg10 : memref<!tpu.dma_semaphore, #tpu.memory_space<semaphore_mem>>)
    }
    %scan3A_44 = arith.constant 50 : i32
    %dma_wait3A = arith.constant 0 : i32
    %dma_wait3A_45 = arith.constant 0 : i32
    %dma_wait3A_46 = arith.constant 0 : i32
    %dma_wait3A_47 = tpu.memref_slice %arg6[%dma_wait3A, %dma_wait3A_45, %dma_wait3A_46] : memref<6x128x64xf32, #tpu.memory_space<vmem>> -> memref<1x128x64xf32, #tpu.memory_space<vmem>>
    %dma_wait3A_48 = tpu.memref_squeeze %dma_wait3A_47 : memref<1x128x64xf32, #tpu.memory_space<vmem>> -> memref<128x64xf32, #tpu.memory_space<vmem>>
    %dma_wait3A_49 = arith.constant 0 : i32
    %dma_wait3A_50 = tpu.memref_slice %arg4[%mul3A_2, %dma_wait3A_49] : memref<204800x64xf32, #tpu.memory_space<hbm>> -> memref<128x64xf32, #tpu.memory_space<hbm>>
    %dma_wait3A_51 = arith.constant 0 : i32
    %dma_wait3A_52 = tpu.memref_slice %arg4[%mul3A_2, %dma_wait3A_51] : memref<204800x64xf32, #tpu.memory_space<hbm>> -> memref<128x64xf32, #tpu.memory_space<hbm>>
    %dma_wait3A_53 = arith.constant 0 : i32
    %dma_wait3A_54 = arith.constant 0 : i32
    %dma_wait3A_55 = tpu.memref_slice %arg6[%dma_wait3A, %dma_wait3A_53, %dma_wait3A_54] : memref<6x128x64xf32, #tpu.memory_space<vmem>> -> memref<1x128x64xf32, #tpu.memory_space<vmem>>
    %dma_wait3A_56 = tpu.memref_squeeze %dma_wait3A_55 : memref<1x128x64xf32, #tpu.memory_space<vmem>> -> memref<128x64xf32, #tpu.memory_space<vmem>>
    tpu.wait_dma2 semaphore(%arg10 : memref<!tpu.dma_semaphore, #tpu.memory_space<semaphore_mem>>) src(%dma_wait3A_56 : memref<128x64xf32, #tpu.memory_space<vmem>>) dst(%dma_wait3A_52 : memref<128x64xf32, #tpu.memory_space<hbm>>)
    %dma_wait3A_57 = arith.constant 0 : i32
    %dma_wait3A_58 = arith.constant 0 : i32
    %dma_wait3A_59 = arith.constant 0 : i32
    %dma_wait3A_60 = tpu.memref_slice %arg6[%dma_wait3A_57, %dma_wait3A_58, %dma_wait3A_59] : memref<6x128x64xf32, #tpu.memory_space<vmem>> -> memref<1x128x64xf32, #tpu.memory_space<vmem>>
    %dma_wait3A_61 = tpu.memref_squeeze %dma_wait3A_60 : memref<1x128x64xf32, #tpu.memory_space<vmem>> -> memref<128x64xf32, #tpu.memory_space<vmem>>
    %dma_wait3A_62 = arith.constant 0 : i32
    %dma_wait3A_63 = tpu.memref_slice %arg4[%mul3A_2, %dma_wait3A_62] : memref<204800x64xf32, #tpu.memory_space<hbm>> -> memref<128x64xf32, #tpu.memory_space<hbm>>
    %dma_wait3A_64 = arith.constant 0 : i32
    %dma_wait3A_65 = tpu.memref_slice %arg4[%mul3A_2, %dma_wait3A_64] : memref<204800x64xf32, #tpu.memory_space<hbm>> -> memref<128x64xf32, #tpu.memory_space<hbm>>
    %dma_wait3A_66 = arith.constant 0 : i32
    %dma_wait3A_67 = arith.constant 0 : i32
    %dma_wait3A_68 = tpu.memref_slice %arg6[%dma_wait3A_57, %dma_wait3A_66, %dma_wait3A_67] : memref<6x128x64xf32, #tpu.memory_space<vmem>> -> memref<1x128x64xf32, #tpu.memory_space<vmem>>
    %dma_wait3A_69 = tpu.memref_squeeze %dma_wait3A_68 : memref<1x128x64xf32, #tpu.memory_space<vmem>> -> memref<128x64xf32, #tpu.memory_space<vmem>>
    tpu.wait_dma2 semaphore(%arg10 : memref<!tpu.dma_semaphore, #tpu.memory_space<semaphore_mem>>) src(%dma_wait3A_69 : memref<128x64xf32, #tpu.memory_space<vmem>>) dst(%dma_wait3A_65 : memref<128x64xf32, #tpu.memory_space<hbm>>)
    %dma_wait3A_70 = arith.constant 0 : i32
    %dma_wait3A_71 = arith.constant 0 : i32
    %dma_wait3A_72 = arith.constant 0 : i32
    %dma_wait3A_73 = tpu.memref_slice %arg6[%dma_wait3A_70, %dma_wait3A_71, %dma_wait3A_72] : memref<6x128x64xf32, #tpu.memory_space<vmem>> -> memref<1x128x64xf32, #tpu.memory_space<vmem>>
    %dma_wait3A_74 = tpu.memref_squeeze %dma_wait3A_73 : memref<1x128x64xf32, #tpu.memory_space<vmem>> -> memref<128x64xf32, #tpu.memory_space<vmem>>
    %dma_wait3A_75 = arith.constant 0 : i32
    %dma_wait3A_76 = tpu.memref_slice %arg4[%mul3A_2, %dma_wait3A_75] : memref<204800x64xf32, #tpu.memory_space<hbm>> -> memref<128x64xf32, #tpu.memory_space<hbm>>
    %dma_wait3A_77 = arith.constant 0 : i32
    %dma_wait3A_78 = tpu.memref_slice %arg4[%mul3A_2, %dma_wait3A_77] : memref<204800x64xf32, #tpu.memory_space<hbm>> -> memref<128x64xf32, #tpu.memory_space<hbm>>
    %dma_wait3A_79 = arith.constant 0 : i32
    %dma_wait3A_80 = arith.constant 0 : i32
    %dma_wait3A_81 = tpu.memref_slice %arg6[%dma_wait3A_70, %dma_wait3A_79, %dma_wait3A_80] : memref<6x128x64xf32, #tpu.memory_space<vmem>> -> memref<1x128x64xf32, #tpu.memory_space<vmem>>
    %dma_wait3A_82 = tpu.memref_squeeze %dma_wait3A_81 : memref<1x128x64xf32, #tpu.memory_space<vmem>> -> memref<128x64xf32, #tpu.memory_space<vmem>>
    tpu.wait_dma2 semaphore(%arg10 : memref<!tpu.dma_semaphore, #tpu.memory_space<semaphore_mem>>) src(%dma_wait3A_82 : memref<128x64xf32, #tpu.memory_space<vmem>>) dst(%dma_wait3A_78 : memref<128x64xf32, #tpu.memory_space<hbm>>)
    %dma_wait3A_83 = arith.constant 0 : i32
    %dma_wait3A_84 = arith.constant 0 : i32
    %dma_wait3A_85 = arith.constant 0 : i32
    %dma_wait3A_86 = tpu.memref_slice %arg6[%dma_wait3A_83, %dma_wait3A_84, %dma_wait3A_85] : memref<6x128x64xf32, #tpu.memory_space<vmem>> -> memref<1x128x64xf32, #tpu.memory_space<vmem>>
    %dma_wait3A_87 = tpu.memref_squeeze %dma_wait3A_86 : memref<1x128x64xf32, #tpu.memory_space<vmem>> -> memref<128x64xf32, #tpu.memory_space<vmem>>
    %dma_wait3A_88 = arith.constant 0 : i32
    %dma_wait3A_89 = tpu.memref_slice %arg4[%mul3A_2, %dma_wait3A_88] : memref<204800x64xf32, #tpu.memory_space<hbm>> -> memref<128x64xf32, #tpu.memory_space<hbm>>
    %dma_wait3A_90 = arith.constant 0 : i32
    %dma_wait3A_91 = tpu.memref_slice %arg4[%mul3A_2, %dma_wait3A_90] : memref<204800x64xf32, #tpu.memory_space<hbm>> -> memref<128x64xf32, #tpu.memory_space<hbm>>
    %dma_wait3A_92 = arith.constant 0 : i32
    %dma_wait3A_93 = arith.constant 0 : i32
    %dma_wait3A_94 = tpu.memref_slice %arg6[%dma_wait3A_83, %dma_wait3A_92, %dma_wait3A_93] : memref<6x128x64xf32, #tpu.memory_space<vmem>> -> memref<1x128x64xf32, #tpu.memory_space<vmem>>
    %dma_wait3A_95 = tpu.memref_squeeze %dma_wait3A_94 : memref<1x128x64xf32, #tpu.memory_space<vmem>> -> memref<128x64xf32, #tpu.memory_space<vmem>>
    tpu.wait_dma2 semaphore(%arg10 : memref<!tpu.dma_semaphore, #tpu.memory_space<semaphore_mem>>) src(%dma_wait3A_95 : memref<128x64xf32, #tpu.memory_space<vmem>>) dst(%dma_wait3A_91 : memref<128x64xf32, #tpu.memory_space<hbm>>)
    %dma_wait3A_96 = arith.constant 0 : i32
    %dma_wait3A_97 = arith.constant 0 : i32
    %dma_wait3A_98 = arith.constant 0 : i32
    %dma_wait3A_99 = tpu.memref_slice %arg6[%dma_wait3A_96, %dma_wait3A_97, %dma_wait3A_98] : memref<6x128x64xf32, #tpu.memory_space<vmem>> -> memref<1x128x64xf32, #tpu.memory_space<vmem>>
    %dma_wait3A_100 = tpu.memref_squeeze %dma_wait3A_99 : memref<1x128x64xf32, #tpu.memory_space<vmem>> -> memref<128x64xf32, #tpu.memory_space<vmem>>
    %dma_wait3A_101 = arith.constant 0 : i32
    %dma_wait3A_102 = tpu.memref_slice %arg4[%mul3A_2, %dma_wait3A_101] : memref<204800x64xf32, #tpu.memory_space<hbm>> -> memref<128x64xf32, #tpu.memory_space<hbm>>
    %dma_wait3A_103 = arith.constant 0 : i32
    %dma_wait3A_104 = tpu.memref_slice %arg4[%mul3A_2, %dma_wait3A_103] : memref<204800x64xf32, #tpu.memory_space<hbm>> -> memref<128x64xf32, #tpu.memory_space<hbm>>
    %dma_wait3A_105 = arith.constant 0 : i32
    %dma_wait3A_106 = arith.constant 0 : i32
    %dma_wait3A_107 = tpu.memref_slice %arg6[%dma_wait3A_96, %dma_wait3A_105, %dma_wait3A_106] : memref<6x128x64xf32, #tpu.memory_space<vmem>> -> memref<1x128x64xf32, #tpu.memory_space<vmem>>
    %dma_wait3A_108 = tpu.memref_squeeze %dma_wait3A_107 : memref<1x128x64xf32, #tpu.memory_space<vmem>> -> memref<128x64xf32, #tpu.memory_space<vmem>>
    tpu.wait_dma2 semaphore(%arg10 : memref<!tpu.dma_semaphore, #tpu.memory_space<semaphore_mem>>) src(%dma_wait3A_108 : memref<128x64xf32, #tpu.memory_space<vmem>>) dst(%dma_wait3A_104 : memref<128x64xf32, #tpu.memory_space<hbm>>)
    %dma_wait3A_109 = arith.constant 0 : i32
    %dma_wait3A_110 = arith.constant 0 : i32
    %dma_wait3A_111 = arith.constant 0 : i32
    %dma_wait3A_112 = tpu.memref_slice %arg6[%dma_wait3A_109, %dma_wait3A_110, %dma_wait3A_111] : memref<6x128x64xf32, #tpu.memory_space<vmem>> -> memref<1x128x64xf32, #tpu.memory_space<vmem>>
    %dma_wait3A_113 = tpu.memref_squeeze %dma_wait3A_112 : memref<1x128x64xf32, #tpu.memory_space<vmem>> -> memref<128x64xf32, #tpu.memory_space<vmem>>
    %dma_wait3A_114 = arith.constant 0 : i32
    %dma_wait3A_115 = tpu.memref_slice %arg4[%mul3A_2, %dma_wait3A_114] : memref<204800x64xf32, #tpu.memory_space<hbm>> -> memref<128x64xf32, #tpu.memory_space<hbm>>
    %dma_wait3A_116 = arith.constant 0 : i32
    %dma_wait3A_117 = tpu.memref_slice %arg4[%mul3A_2, %dma_wait3A_116] : memref<204800x64xf32, #tpu.memory_space<hbm>> -> memref<128x64xf32, #tpu.memory_space<hbm>>
    %dma_wait3A_118 = arith.constant 0 : i32
    %dma_wait3A_119 = arith.constant 0 : i32
    %dma_wait3A_120 = tpu.memref_slice %arg6[%dma_wait3A_109, %dma_wait3A_118, %dma_wait3A_119] : memref<6x128x64xf32, #tpu.memory_space<vmem>> -> memref<1x128x64xf32, #tpu.memory_space<vmem>>
    %dma_wait3A_121 = tpu.memref_squeeze %dma_wait3A_120 : memref<1x128x64xf32, #tpu.memory_space<vmem>> -> memref<128x64xf32, #tpu.memory_space<vmem>>
    tpu.wait_dma2 semaphore(%arg10 : memref<!tpu.dma_semaphore, #tpu.memory_space<semaphore_mem>>) src(%dma_wait3A_121 : memref<128x64xf32, #tpu.memory_space<vmem>>) dst(%dma_wait3A_117 : memref<128x64xf32, #tpu.memory_space<hbm>>)
    return
  }
}

</mosaic_0001>

<sc_bundles>
// kernel: kernel.3.cloned.1.call-start
scs
__scs_entry_jumppad:
0x0: {  	(pc) =	sbr.rel $0x88, $3  }
0x1: {  	(tag) =	ssettag $0x0;
	lr =	simm.s32 $0x1  }
0x2: {  	[smem:$0x3F9F] =	sst lr;
	_ =	strace $0xD0000000  }
0x3: {  	_ = 	snop  }
0x4: {  	_ = 	snop  }
0x5: {  	_ = 	snop  }
0x6: {  	_ = 	snop  }
0x7: {  	_ = 	snop  }
__scs_overlays_trampoline_lowered:
0x8: {  	[smem:$0x3FAE] =	sst s0  }
0x9: {  	[smem:$0x3FAF] =	sst s1  }
0xa: {  	[smem:$0x3FB0] =	sst s2  }
0xb: {  	[smem:$0x3FB1] =	sst s3  }
0xc: {  	[smem:$0x3FB2] =	sst s4  }
0xd: {  	[smem:$0x3FB3] =	sst s5  }
0xe: {  	[smem:$0x3FB4] =	sst s6  }
0xf: {  	[smem:$0x3FB5] =	sst s7  }
0x10: {  	[smem:$0x3FB6] =	sst s8  }
0x11: {  	[smem:$0x3FB7] =	sst s9;
	s0 =	simm.s32 @!p0 $0x0  }
0x12: {  	s1 =	sld [smem:$0x3F9D];
	s0 =	simm.s32 @p0 $0x1  }
0x13: {  	[smem:$0x3FB8] =	sst s0;
	s0 =	simm.s32 @!p1 $0x0  }
0x14: {  	s2 =	sld [smem:$0x3F9C];
	s0 =	simm.s32 @p1 $0x1  }
0x15: {  	[smem:$0x3FB9] =	sst s0;
	s0 =	simm.s32 @!p2 $0x0  }
0x16: {  	s3 =	sld [smem:$0x3FDB];
	s0 =	simm.s32 @p2 $0x1  }
0x17: {  	s4 =	simm.s32 $0x1BF5;
	[smem:$0x3FBB] =	sst s0  }
0x18: {  	s0 =	sld [smem:$0x3F9E];
	_ =	swait.ge [sflag:s4], $0x0  }
0x19: {  	s7 =	sld [smem:$0x3F9F]  }
0x1a: {  	s8 =	sadd.s32 $0xFFFFE003, lr  }
0x1b: {  	s9 =	sadd.s32 $0xFFFFFEF7, lr;
	s5 =	simm.s32 $0xFFFFFFFF;
	p2 =	slt.u32 s8, $0xFFFFF086  }
0x1c: {  	p1 =	slt.u32 s9, $0xF7A;
	s5 =	simm.s32 @!p2 $0x0  }
0x1d: {  	s5 =	simm.s32 @p1 $0x1;
	p0 =	seq.s32 s7, s2  }
0x1e: {  	s7 =	smul.u32 @!p0 $0xF7A, s2;
	p2 =	seq.s32 @!p0 s5, $0x0  }
0x1f: {  	s9 =	smul.u32 $0xF7A, s1;
	s8 =	simm.s32 @!p0 $0x1BF5;
	p2 =	por !p2, p0  }
0x20: {  	[sflag:s8] =	ssyncset.s32 @!p0 $0xFFFFF086;
	s6 =	sadd.s32 @!p0 s3, s7;
	s7 =	simm.s32 @!p0 $0x108  }
0x21: {  	s3 =	sadd.s32 s3, s9;
	s6 =	sadd.s32 @!p0 $0x88, s6;
	s7 =	simm.s32 @p2 $0x1082  }
0x22: {  	[simem:s7], [sflag:s8] =	dma.local @!p0 [hbm:s6], $0xF7A  }
0x23: {  	s9 =	sor.u32 $0xD0000000, s2;
	s6 =	simm.s32 $0x108;
	_ =	swait.ge @!p0 [sflag:s8], $0x0  }
0x24: {  	s3 =	sadd.s32 $0x88, s3;
	s6 =	simm.s32 @!p1 $0x1082;
	[sflag:s4] =	ssyncset.s32 $0xFFFFF086  }
0x25: {  	[simem:s6], [sflag:s4] =	dma.local [hbm:s3], $0xF7A  }
0x26: {  	[smem:$0x3F9F] =	sst s1;
	(tag) =	ssettag s2;
	_ =	strace s9  }
0x27: {  	s1 =	sld [smem:$0x3FAF]  }
0x28: {  	s2 =	sld [smem:$0x3FB0]  }
0x29: {  	s4 =	sld [smem:$0x3FB2]  }
0x2a: {  	p0 =	seq.s32 s5, $0x0;
	s5 =	sld [smem:$0x3FB3]  }
0x2b: {  	s6 =	sld [smem:$0x3FB4]  }
0x2c: {  	s7 =	sld [smem:$0x3FB5]  }
0x2d: {  	s3 =	simm.s32 $0x108;
	s8 =	sld [smem:$0x3FB6]  }
0x2e: {  	s3 =	simm.s32 @!p0 $0x1082;
	s9 =	sld [smem:$0x3FB7]  }
0x2f: {  	lr =	sadd.s32 s0, s3;
	s0 =	sld [smem:$0x3FAE]  }
0x30: {  	s3 =	sld [smem:$0x3FB1]  }
0x31: {  	[smem:$0x3FBA] =	sst s10  }
0x32: {  	s10 =	sld [smem:$0x3FB8];
	_ =	sdelay $0x3  }
0x33: {  	p0 =	seq.s32 s10, $0x1;
	s10 =	sld [smem:$0x3FBA];
	_ =	sdelay $0x3  }
0x34: {  	[smem:$0x3FBA] =	sst s10  }
0x35: {  	s10 =	sld [smem:$0x3FB9];
	_ =	sdelay $0x3  }
0x36: {  	p1 =	seq.s32 s10, $0x1;
	s10 =	sld [smem:$0x3FBA];
	_ =	sdelay $0x3  }
0x37: {  	[smem:$0x3FBA] =	sst s10  }
0x38: {  	s10 =	sld [smem:$0x3FBB]  }
0x39: {  	_ = 	snop;
	(pc) =	sbr.ind lr, $3  }
0x3a: {  	_ = 	snop  }
0x3b: {  	_ = 	snop  }
0x3c: {  	p2 =	seq.s32 s10, $0x1;
	s10 =	sld [smem:$0x3FBA]  }
0x3d: {  	_ =	shalt  }
0x3e: {  	_ =	shalt  }
0x3f: {  	_ =	shalt  }
0x40: {  	_ =	shalt  }
0x41: {  	_ =	shalt  }
0x42: {  	_ =	shalt  }
0x43: {  	_ =	shalt  }
0x44: {  	_ =	shalt  }
0x45: {  	_ =	shalt  }
0x46: {  	_ =	shalt  }
0x47: {  	_ =	shalt  }
0x48: {  	_ =	shalt  }
0x49: {  	_ =	shalt  }
0x4a: {  	_ =	shalt  }
0x4b: {  	_ =	shalt  }
0x4c: {  	_ =	shalt  }
0x4d: {  	_ =	shalt  }
0x4e: {  	_ =	shalt  }
0x4f: {  	_ =	shalt  }
0x50: {  	_ =	shalt  }
0x51: {  	_ =	shalt  }
0x52: {  	_ =	shalt  }
0x53: {  	_ =	shalt  }
0x54: {  	_ =	shalt  }
0x55: {  	_ =	shalt  }
0x56: {  	_ =	shalt  }
0x57: {  	_ =	shalt  }
0x58: {  	_ =	shalt  }
0x59: {  	_ =	shalt  }
0x5a: {  	_ =	shalt  }
0x5b: {  	_ =	shalt  }
0x5c: {  	_ =	shalt  }
0x5d: {  	_ =	shalt  }
0x5e: {  	_ =	shalt  }
0x5f: {  	_ =	shalt  }
0x60: {  	_ =	shalt  }
0x61: {  	_ =	shalt  }
0x62: {  	_ =	shalt  }
0x63: {  	_ =	shalt  }
0x64: {  	_ =	shalt  }
0x65: {  	_ =	shalt  }
0x66: {  	_ =	shalt  }
0x67: {  	_ =	shalt  }
0x68: {  	_ =	shalt  }
0x69: {  	_ =	shalt  }
0x6a: {  	_ =	shalt  }
0x6b: {  	_ =	shalt  }
0x6c: {  	_ =	shalt  }
0x6d: {  	_ =	shalt  }
0x6e: {  	_ =	shalt  }
0x6f: {  	_ =	shalt  }
0x70: {  	_ =	shalt  }
0x71: {  	_ =	shalt  }
0x72: {  	_ =	shalt  }
0x73: {  	_ =	shalt  }
0x74: {  	_ =	shalt  }
0x75: {  	_ =	shalt  }
0x76: {  	_ =	shalt  }
0x77: {  	_ =	shalt  }
0x78: {  	_ =	shalt  }
0x79: {  	_ =	shalt  }
0x7a: {  	_ =	shalt  }
0x7b: {  	_ =	shalt  }
0x7c: {  	_ =	shalt  }
0x7d: {  	_ =	shalt  }
0x7e: {  	_ =	shalt  }
0x7f: {  	_ =	shalt  }
0x80: {  	_ =	shalt  }
0x81: {  	_ =	shalt  }
0x82: {  	_ =	shalt  }
0x83: {  	_ =	shalt  }
0x84: {  	_ =	shalt  }
0x85: {  	_ =	shalt  }
0x86: {  	_ =	shalt  }
0x87: {  	_ =	shalt  }
.Lfunc_end0:
.L_simem_size_0:
called_computation.1_lowered:
.L_overlay_start_0:
0x88: {  	s2 =	sld [smem:$0x3FD9]  }
0x89: {  	s3 =	sld [smem:$0x3FFE];
	_ =	sdelay $0x1  }
0x8a: {  	s1 =	srdreg.scid  }
0x8b: {  	s0 =	sand.u32 $0x1, s1  }
0x8c: {  	s17 =	sshll.u32 s0, $0xA;
	s2 =	sadd.s32 s3, s2  }
0x8d: {  	s2 =	sadd.s32 s2, s17  }
0x8e: {  	[smem:$0x3FC6] =	sst s2  }
0x8f: {  	_ = 	snop  }
0x90: {  	s2 =	sld [smem:$0x3FD0];
	(tm) =	ssettm $0x1  }
0x91: {  	s18 =	sld [smem:$0x3FFB];
	_ =	sdelay $0x3  }
0x92: {  	_ =	strace s18  }
0x93: {  	s3 =	sld [smem:$0x3FFC];
	_ =	sdelay $0x3  }
0x94: {  	_ =	strace s3  }
0x95: {  	s3 =	sld [smem:$0x3FFD];
	_ =	sdelay $0x3  }
0x96: {  	_ =	strace s3  }
0x97: {  	_ =	strace $0x8FFFFFFF  }
0x98: {  	s19 =	sld [smem:$0x3FDB];
	_ =	sdelay $0x1  }
0x99: {  	s4 =	simm.s32 $_scs_section_size  }
0x9a: {  	s5 =	simm.s32 $_size__tile_overlayer_lowered;
	s6 =	simm.s32 $_tile_overlayer_lowered  }
0x9b: {  	s22 =	simm.s32 $0x1BFF;
	s21 =	sshll.u32 s6, $0x1;
	s3 =	sadd.s32 s4, s19  }
0x9c: {  	s7 =	simm.s32 $0x0;
	s20 =	sshll.u32 s5, $0x1;
	s5 =	sadd.s32 s21, s3  }
0x9d: {  	[timem:s7], [sflag:s22] =	dma.local [hbm:s5], s20  }
0x9e: {  	_ =	swait.ge [sflag:s22], s20  }
0x9f: {  	s4 =	ssub.s32 $0x0, s20;
	[sflag:s22] =	ssyncset.done $0x0  }
0xa0: {  	[sflag:s22] =	ssyncadd.s32 s4;
	_ =	sdelay $0x1  }
0xa1: {  	s23 =	simm.s32 $0x1B8B  }
0xa2: {  	_ =	swait.ge [sflag:s23], $0x1  }
0xa3: {  	[sflag:s23] =	ssyncset.done $0x0  }
0xa4: {  	s25 =	simm.s32 $0x1B8E;
	s24 =	sld [smem:$0x3FFE];
	[sflag:s23] =	ssyncadd.s32 $0xFFFFFFFF  }
0xa5: {  	s26 =	simm.s32 $execute0_lowered;
	[smem:$0x3FD2] =	sst s25  }
0xa6: {  	s5 =	sshll.u32 s26, $0x1;
	_ =	strace $0x80000046;
	[dreg:$0x1] =	wrdreg $0xFFFFFFFF  }
0xa7: {  	s28 =	simm.s32 $_size_execute0_lowered;
	s3 =	sadd.s32 s3, s5;
	[dreg:$0x0] =	wrdreg $0x0  }
0xa8: {  	s5 =	sshll.u32 s28, $0x1;
	[dreg:$0x2] =	wrdreg s3  }
0xa9: {  	[dreg:$0x3] =	wrdreg s5  }
0xaa: {  	[dreg:$0x4] =	wrdreg $0xC0  }
0xab: {  	_ =	task [dreg:s7], $0x5FFFF  }
0xac: {  	[dreg:$0x1] =	wrdreg $0xFFFFFFFF  }
0xad: {  	[dreg:$0x0] =	wrdreg $0x60  }
0xae: {  	[dreg:$0x2] =	wrdreg s24  }
0xaf: {  	[dreg:$0x3] =	wrdreg s2  }
0xb0: {  	[dreg:$0x4] =	wrdreg $0xEF400  }
0xb1: {  	[dreg:$0x5] =	wrdreg $0x9  }
0xb2: {  	_ =	task.clear_ibuf [dreg:s7], $0x6FFFF;
	_ =	strace $0x90000046  }
0xb3: {  	s29 =	simm.s32 $0x9;
	_ =	strace $0x80000048  }
0xb4: {  	_ =	swait.ge [sflag:s29], $0x1  }
0xb5: {  	[sflag:s29] =	ssyncadd.s32 $0xFFFFFFFF  }
0xb6: {  	_ =	strace $0x90000048  }
0xb7: {  	_ =	sfence  }
0xb8: {  	s30 =	sld [smem:$0x0];
	_ =	sdelay $0x2  }
0xb9: {  	s31 =	sshll.u32 s1, $0xD;
	s1 =	sshrl.u32 s1, $0x2  }
0xba: {  	s3 =	sand.u32 $0x4000, s31;
	s1 =	sadd.s32 s1, s30  }
0xbb: {  	s0 =	sor.u32 s3, s0;
	s1 =	sshll.u32 s1, $0x11  }
0xbc: {  	s0 =	sor.u32 s1, s0  }
0xbd: {  	s0 =	sadd.s32 $0x8F2B, s0  }
0xbe: {  	[sflag:s0] =	ssyncadd.remote.s32 $0x1  }
0xbf: {  	_ =	sfence.sel $0xFFFF  }
0xc0: {  	[dreg:$0x0] =	wrdreg $0xFFFFFFFF;
	(pc) =	sbr.abs _section_cstart, $3  }
0xc1: {  	[dreg:$0x1] =	wrdreg $0xFFFFFFFF  }
0xc2: {  	_ =	task.clear_ibuf [dreg:s7], $0x2FFFF;
	_ =	strace $0x9FFFFFFF  }
0xc3: {  	(tm) =	ssettm $0x7FFFFFFF  }
tec
execute0_lowered:
.L_overlay_start_1:
0x0: {  	(tag) =	ssettag $0x1  }
0x1: {  	s3 =	rddreg [dreg:$0x0]  }
0x2: {  	s0 =	srdreg.scid;
	s6 =	rddreg [dreg:$0x1]  }
0x3: {  	s7 =	stileid.u32;
	s1 =	rddreg [dreg:$0x2]  }
0x4: {  	s2 =	simm.s32 $0x0;
	s11 =	simm.s32 $0x100;
	s12 =	simm.s32 $0x5900  }
0x5: {  	s13 =	simm.s32 $0x1;
	s14 =	simm.s32 $0x2;
	s15 =	simm.s32 $0x0  }
0x6: {  	s4 =	sand.u32 $0x1, s0;
	s30 =	sshll.u32 s7, $0x1;
	s8 =	smul.u32 $0xC8000, s7  }
0x7: {  	[smem:$0x7FF] =	sst s2;
	p0 =	sne.s32 s7, $0x0;
	s7 =	simm.s32 $0x3  }
0x8: {  	s0 =	sor.u32 s4, s30;
	s9 =	smul.u32 $0x64000, s4;
	s4 =	ssub.s32 $0x2, s4  }
0x9: {  	s5 =	smul.u32 $0x320, s0;
	s0 =	rddreg [dreg:$0x3];
	s10 =	sshrl.u32 s4, $0x1  }
0xa: {  	_ =	strace $0x80000047;
	s8 =	sadd.s32 s9, s8;
	s31 =	ssub.s32 s4, s10  }
0xb: {  	s9 =	simm.s32 $0x1900;
	s10 =	simm.s32 $0x3900;
	s5 =	sadd.s32 s5, s3  }
0xc: {  	s3 =	sadd.s32 $0x800, s3;
	s8 =	sshrl.u32 s8, $0x3;
	s4 =	sadd.s32 $0xC00, s5  }
0xd: {  	s5 =	smax.u32 s31, $0x1;
	s6 =	sadd.s32 s8, s6;
	s8 =	simm.s32 $0x80  }
.LBB2_1:
0xe: {  	s16 =	simm.s32 @!p0 $0x0;
	s17 =	simm.s32 @!p0 $0xD900  }
0xf: {  	[tilespmem:s17], [sflag:$0x3] =	stream.linear.gather @!p0 [hbm4b:s3+s16], $0x1640, $0x38;
	[tilespmem:$0xF0A8] =	vst v63  }
0x10: {  	s16 =	simm.s32 @!p0 $0x3  }
0x11: {  	_ =	swait.ge @!p0 [sflag:s16], $0x1640  }
0x12: {  	[sflag:s16] =	ssyncset.done @!p0 $0x0  }
0x13: {  	[sflag:s16] =	ssyncadd.s32 @!p0 $0xFFFFE9C0  }
0x14: {  	[spmem:s1] =	stream.linear.scatter @!p0 [tilespmem:s17], [sflag:$0x3], $0x1640, $0x38;
	[tilespmem:$0xF0A8] =	vst v63  }
0x15: {  	_ =	swait.ge @!p0 [sflag:s16], $0x1640  }
0x16: {  	[sflag:s16] =	ssyncset.done @!p0 $0x0  }
0x17: {  	[sflag:s16] =	ssyncadd.s32 @!p0 $0xFFFFE9C0  }
0x18: {  	[bflag:$0x0] =	sbarrier.arrive $0xFFFF  }
0x19: {  	[tilespmem:s2], [sflag:$0x3] =	stream.linear.gather [hbm4b:s4+s2], $0x1900, $0x38;
	[tilespmem:$0xF0A8] =	vst v63  }
0x1a: {  	s31 =	smul.u32 $0xAB, s2;
	_ =	swait.ge [sflag:s7], $0x1900  }
0x1b: {  	p1 =	por $0x0, $0x0;
	s16 =	simm.s32 $0x3;
	[sflag:s7] =	ssyncset.done $0x0  }
0x1c: {  	s17 =	sshrl.u32 s31, $0xA;
	s16 =	smul.u32 @!p1 $0xAB, s16;
	[sflag:s7] =	ssyncadd.s32 $0xFFFFE700  }
0x1d: {  	[tilespmem:s9], [sflag:$0x1] =	stream.indirect.gather [spmem:s1], $0x40, s2, s8, $0xb8;
	[tilespmem:$0xF0A8] =	vst v63  }
0x1e: {  	s19 =	simm.s32 $0x180;
	s17 =	sand.u32 $0x3F, s17;
	s16 =	sshrl.u32 @!p1 s16, $0xA  }
0x1f: {  	[tilespmem:s10], [sflag:$0x1] =	stream.indirect.gather [spmem:s1], $0x40, s8, s8, $0xb8;
	[tilespmem:$0xF0A8] =	vst v63  }
0x20: {  	p2 =	por @!p1 $0x1, $0x1;
	s17 =	smul.u32 $0x6, s17;
	s16 =	sand.u32 @!p1 $0x3F, s16  }
0x21: {  	[tilespmem:s12], [sflag:$0x1] =	stream.indirect.gather [spmem:s1], $0x40, s11, s8, $0xb8;
	[tilespmem:$0xF0A8] =	vst v63  }
0x22: {  	p2 =	por p2, p1;
	s16 =	smul.u32 @!p1 $0x6, s16;
	_ =	swait.ge [sflag:s13], $0x2000  }
0x23: {  	s18 =	simm.s32 @!p2 $0x2;
	s17 =	ssub.s32 $0x0, s17;
	[sflag:s13] =	ssyncset.done $0x0  }
0x24: {  	s17 =	sand.u32 $0xFF, s17;
	s16 =	ssub.s32 @!p1 $0x3, s16;
	[sflag:s13] =	ssyncadd.s32 $0xFFFFE000  }
0x25: {  	s20 =	sshll.u32 s17, $0xD;
	s16 =	sand.u32 @!p1 $0xFF, s16;
	_ =	swait.ge @!p2 [sflag:s18], $0x2000  }
0x26: {  	s17 =	sadd.s32 $0x400, s6;
	s16 =	sshll.u32 @!p1 s16, $0xD;
	[sflag:s18] =	ssyncset.done @!p2 $0x0  }
0x27: {  	s16 =	sor.u32 @!p1 $0x1900, s16;
	[sflag:s18] =	ssyncadd.s32 @!p2 $0xFFFFE000;
	s18 =	simm.s32 @!p1 $0x80  }
0x28: {  	[tilespmem:s16], [sflag:$0x1] =	stream.indirect.gather @!p1 [spmem:s1], $0x40, s19, s18, $0xb8;
	[tilespmem:$0xF0A8] =	vst v63  }
0x29: {  	s16 =	simm.s32 $0x1;
	s18 =	simm.s32 $0x200;
	s19 =	smov.u32 s6  }
.LBB2_2:
0x2a: {  	s21 =	sadd.s32 $0x3, s16  }
0x2b: {  	p1 =	sgt.u32 s16, $0x2E;
	s20 =	sor.u32 $0x1900, s20;
	s22 =	smov.u32 s16  }
0x2c: {  	[hbm4b:s19+s2] =	stream.linear.scatter [tilespmem:s20], [sflag:$0x2], $0x2000, $0x38;
	[tilespmem:$0xF0A8] =	vst v63  }
0x2d: {  	p2 =	slt.u32 @!p1 s16, $0x3;
	s19 =	smul.u32 @!p1 $0xAB, s21;
	_ =	swait.ge [sflag:s13], $0x2000  }
0x2e: {  	s16 =	sadd.s32 $0x1, s16;
	p3 =	por p2, p1;
	[sflag:s13] =	ssyncset.done $0x0  }
0x2f: {  	s20 =	smul.u32 $0xAB, s22;
	s19 =	sshrl.u32 @!p1 s19, $0xA;
	[sflag:s13] =	ssyncadd.s32 $0xFFFFE000  }
0x30: {  	p2 =	sne.s32 s16, $0x32;
	s23 =	simm.s32 @!p3 $0x2;
	s19 =	sand.u32 @!p1 $0x3F, s19  }
0x31: {  	s24 =	smul.u32 @!p1 $0x6, s19;
	s19 =	sshrl.u32 s20, $0xA;
	_ =	swait.ge @!p3 [sflag:s23], $0x2000  }
0x32: {  	s20 =	sand.u32 $0x3F, s19;
	s19 =	smov.u32 s17;
	[sflag:s23] =	ssyncset.done @!p3 $0x0  }
0x33: {  	s21 =	ssub.s32 @!p1 s21, s24;
	s20 =	smul.u32 $0x6, s20;
	[sflag:s23] =	ssyncadd.s32 @!p3 $0xFFFFE000  }
.Ltmp0:
0x34: {  	s21 =	sand.u32 @!p1 $0xFF, s21;
	(pc) =	sbr.rel @p2 .LBB2_2-.Ltmp0, $4  }
0x35: {  	s21 =	sshll.u32 @!p1 s21, $0xD;
	s20 =	ssub.s32 s22, s20  }
0x36: {  	s22 =	simm.s32 @!p1 $0x80;
	s21 =	sor.u32 @!p1 $0x1900, s21;
	s20 =	sand.u32 $0xFF, s20  }
0x37: {  	[tilespmem:s21], [sflag:$0x1] =	stream.indirect.gather @!p1 [spmem:s1], $0x40, s18, s22, $0xb8;
	[tilespmem:$0xF0A8] =	vst v63  }
0x38: {  	s17 =	sadd.s32 $0x400, s17;
	s20 =	sshll.u32 s20, $0xD;
	s18 =	sadd.s32 $0x80, s18  }
0x39: {  	s16 =	sor.u32 $0x1900, s20  }
0x3a: {  	[hbm4b:s19+s2] =	stream.linear.scatter [tilespmem:s16], [sflag:$0x2], $0x2000, $0x38;
	[tilespmem:$0xF0A8] =	vst v63  }
0x3b: {  	_ =	swait.ge [sflag:s14], $0x2000  }
0x3c: {  	[sflag:s14] =	ssyncset.done $0x0  }
0x3d: {  	[sflag:s14] =	ssyncadd.s32 $0xFFFFE000  }
0x3e: {  	_ =	swait.ge [sflag:s14], $0x2000  }
0x3f: {  	[sflag:s14] =	ssyncset.done $0x0  }
0x40: {  	[sflag:s14] =	ssyncadd.s32 $0xFFFFE000  }
0x41: {  	_ =	swait.ge [sflag:s14], $0x2000  }
0x42: {  	[sflag:s14] =	ssyncset.done $0x0  }
0x43: {  	[sflag:s14] =	ssyncadd.s32 $0xFFFFE000  }
0x44: {  	_ =	swait.ge [sflag:s14], $0x2000  }
0x45: {  	[sflag:s14] =	ssyncset.done $0x0  }
0x46: {  	s15 =	sadd.s32 $0x1, s15;
	[sflag:s14] =	ssyncadd.s32 $0xFFFFE000  }
0x47: {  	p1 =	sne.s32 s15, s5;
	_ =	swait.ge [sflag:s14], $0x2000  }
.Ltmp1:
0x48: {  	[sflag:s14] =	ssyncset.done $0x0;
	(pc) =	sbr.rel @p1 .LBB2_1-.Ltmp1, $4  }
0x49: {  	[sflag:s14] =	ssyncadd.s32 $0xFFFFE000  }
0x4a: {  	_ =	swait.ge [sflag:s14], $0x2000  }
0x4b: {  	[sflag:s14] =	ssyncset.done $0x0  }
0x4c: {  	[sflag:s14] =	ssyncadd.s32 $0xFFFFE000  }
0x4d: {  	_ =	sfence.sel $0x180000  }
0x4e: {  	[bflag:$0x0] =	sbarrier.arrive $0xFFFF  }
0x4f: {  	_ =	strace $0x90000047  }
0x50: {  	s0 =	sadd.s32 @!p0 $0x100000, s0;
	[bflag:$0x2] =	sbarrier.arrive $0xFFFF  }
0x51: {  	[sflag:s0] =	ssyncadd.tile.s32 @!p0 $0x1;
	_ =	shalt  }
.Lfunc_end2:
_tile_overlayer_lowered:
.L_overlay_start_2:
0x52: {  	(tag) =	ssettag $0x2  }
0x53: {  	s0 =	rddreg [dreg:$0x0];
	s2 =	stileid.u32  }
0x54: {  	s1 =	rddreg [dreg:$0x1];
	p0 =	sne.s32 s2, $0x0  }
0x55: {  	s3 =	rddreg [dreg:$0x2];
	[bflag:$0x3] =	sbarrier.arrive $0xFFFF;
	s2 =	simm.s32 @!p0 $0x1C03  }
0x56: {  	[timem:s3], [sflag:s2] =	dma.local @!p0 [hbm:s0], s1  }
0x57: {  	s0 =	simm.s32 @!p0 $0x3  }
0x58: {  	_ =	swait.ge @!p0 [sflag:s0], s1  }
0x59: {  	s1 =	ssub.s32 @!p0 $0x0, s1;
	[sflag:s0] =	ssyncset.done @!p0 $0x0  }
0x5a: {  	[sflag:s0] =	ssyncadd.s32 @!p0 s1  }
0x5b: {  	[bflag:$0x3] =	sbarrier.arrive $0xFFFF  }
0x5c: {  	_ =	shalt  }

// kernel: sparse-core-data-format-call.cloned.1.call-start
scs
called_computation_lowered:
.L_overlay_start_0:
0x0: {  	s2 =	sld [smem:$0x3FD9]  }
0x1: {  	s3 =	sld [smem:$0x3FFE];
	_ =	sdelay $0x1  }
0x2: {  	s1 =	srdreg.scid  }
0x3: {  	s0 =	sand.u32 $0x1, s1  }
0x4: {  	s18 =	sshll.u32 s0, $0xA;
	s2 =	sadd.s32 s3, s2  }
0x5: {  	s2 =	sadd.s32 s2, s18  }
0x6: {  	[smem:$0x3FC6] =	sst s2  }
0x7: {  	_ = 	snop  }
0x8: {  	s2 =	sld [smem:$0x3FD0];
	(tm) =	ssettm $0x1  }
0x9: {  	s19 =	sld [smem:$0x3FFB];
	_ =	sdelay $0x3  }
0xa: {  	_ =	strace s19  }
0xb: {  	s3 =	sld [smem:$0x3FFC];
	_ =	sdelay $0x3  }
0xc: {  	_ =	strace s3  }
0xd: {  	s3 =	sld [smem:$0x3FFD];
	_ =	sdelay $0x3  }
0xe: {  	_ =	strace s3  }
0xf: {  	_ =	strace $0x8FFFFFFF  }
0x10: {  	s20 =	sld [smem:$0x3FDB];
	_ =	sdelay $0x1  }
0x11: {  	s4 =	simm.s32 $_scs_section_size  }
0x12: {  	s5 =	simm.s32 $_size__tile_overlayer_lowered;
	s6 =	simm.s32 $_tile_overlayer_lowered  }
0x13: {  	s23 =	simm.s32 $0x1BFF;
	s22 =	sshll.u32 s6, $0x1;
	s3 =	sadd.s32 s4, s20  }
0x14: {  	s7 =	simm.s32 $0x0;
	s21 =	sshll.u32 s5, $0x1;
	s5 =	sadd.s32 s22, s3  }
0x15: {  	[timem:s7], [sflag:s23] =	dma.local [hbm:s5], s21  }
0x16: {  	_ =	swait.ge [sflag:s23], s21  }
0x17: {  	s4 =	ssub.s32 $0x0, s21;
	[sflag:s23] =	ssyncset.done $0x0  }
0x18: {  	[sflag:s23] =	ssyncadd.s32 s4;
	_ =	sdelay $0x1  }
0x19: {  	s24 =	simm.s32 $0x1B8B  }
0x1a: {  	_ =	swait.ge [sflag:s24], $0x1  }
0x1b: {  	[sflag:s24] =	ssyncset.done $0x0  }
0x1c: {  	s26 =	simm.s32 $0x1B8E;
	s25 =	sld [smem:$0x3FFE];
	[sflag:s24] =	ssyncadd.s32 $0xFFFFFFFF  }
0x1d: {  	s27 =	simm.s32 $execute0_lowered;
	[smem:$0x3FD2] =	sst s26  }
0x1e: {  	s5 =	sshll.u32 s27, $0x1;
	_ =	strace $0x80000049;
	[dreg:$0x1] =	wrdreg $0xFFFFFFFF  }
0x1f: {  	s28 =	simm.s32 $_size_execute0_lowered;
	s3 =	sadd.s32 s3, s5;
	[dreg:$0x0] =	wrdreg $0x0  }
0x20: {  	s5 =	sshll.u32 s28, $0x1;
	[dreg:$0x2] =	wrdreg s3  }
0x21: {  	[dreg:$0x3] =	wrdreg s5  }
0x22: {  	[dreg:$0x4] =	wrdreg $0xC0  }
0x23: {  	_ =	task [dreg:s7], $0x5FFFF  }
0x24: {  	[dreg:$0x1] =	wrdreg $0xFFFFFFFF  }
0x25: {  	[dreg:$0x0] =	wrdreg $0x60  }
0x26: {  	[dreg:$0x2] =	wrdreg s25  }
0x27: {  	[dreg:$0x3] =	wrdreg s2  }
0x28: {  	[dreg:$0x4] =	wrdreg $0x9  }
0x29: {  	_ =	task.clear_ibuf [dreg:s7], $0x5FFFF;
	_ =	strace $0x90000049  }
0x2a: {  	s29 =	simm.s32 $0x9;
	_ =	strace $0x8000004B  }
0x2b: {  	_ =	swait.ge [sflag:s29], $0x1  }
0x2c: {  	[sflag:s29] =	ssyncadd.s32 $0xFFFFFFFF  }
0x2d: {  	_ =	strace $0x9000004B  }
0x2e: {  	_ =	sfence  }
0x2f: {  	s30 =	sld [smem:$0x0];
	_ =	sdelay $0x2  }
0x30: {  	s31 =	sshll.u32 s1, $0xD;
	s1 =	sshrl.u32 s1, $0x2  }
0x31: {  	s3 =	sand.u32 $0x4000, s31;
	s1 =	sadd.s32 s1, s30  }
0x32: {  	s0 =	sor.u32 s3, s0;
	s1 =	sshll.u32 s1, $0x11  }
0x33: {  	s0 =	sor.u32 s1, s0  }
0x34: {  	s0 =	sadd.s32 $0x8F2B, s0  }
0x35: {  	[sflag:s0] =	ssyncadd.remote.s32 $0x1  }
0x36: {  	_ =	sfence.sel $0xFFFF  }
0x37: {  	[dreg:$0x0] =	wrdreg $0xFFFFFFFF;
	(pc) =	sbr.abs _section_cstart, $3  }
0x38: {  	[dreg:$0x1] =	wrdreg $0xFFFFFFFF  }
0x39: {  	_ =	task.clear_ibuf [dreg:s7], $0x2FFFF;
	_ =	strace $0x9FFFFFFF  }
0x3a: {  	(tm) =	ssettm $0x7FFFFFFF  }
0x3b: {  	_ =	shalt  }
tec
execute0_lowered:
.L_overlay_start_1:
0x0: {  	(tag) =	ssettag $0x1  }
0x1: {  	s0 =	srdreg.scid  }
0x2: {  	s1 =	sshll.u32 s0, $0x4  }
0x3: {  	s0 =	stileid.u32;
	s1 =	sand.u32 $0x10, s1  }
0x4: {  	s1 =	sor.u32 s0, s1  }
0x5: {  	s6 =	rddreg [dreg:$0x0];
	s4 =	simm.s32 $0x1;
	s2 =	sshll.u32 s1, $0x7  }
0x6: {  	s7 =	simm.s32 $0x2;
	s12 =	simm.s32 $0x0;
	s1 =	ssub.s32 $0x1000, s2  }
0x7: {  	s8 =	simm.s32 $0x8000;
	s13 =	simm.s32 $0x0;
	s3 =	sand.u32 $0xF80, s1  }
0x8: {  	s9 =	simm.s32 $0x0;
	s5 =	sshrl.u32 s1, $0xC;
	p0 =	sne.s32 s3, $0x0  }
.Ltmp0:
0x9: {  	s1 =	rddreg [dreg:$0x2];
	s4 =	simm.s32 @!p0 $0x0;
	(pc) =	sbr.rel .LBB1_1-.Ltmp0, $4  }
0xa: {  	s11 =	simm.s32 $0x0;
	s3 =	rddreg [dreg:$0x1];
	s5 =	sadd.s32 s4, s5  }
0xb: {  	_ =	strace $0x8000004A;
	s4 =	simm.s32 $0x1;
	s5 =	smul.u32 $0x32, s5  }
0xc: {  	s6 =	sadd.s32 $0x800, s6;
	s10 =	smov.u32 s2;
	[sflag:s4] =	ssyncpa.u1 $0x0  }
0xd: {  	p0 =	por $0x0, $0x0;
	[sflag:s7] =	ssyncpa.u1 $0x0;
	s7 =	sor.u32 $0x1, s5  }
.LBB1_4:
0xe: {  	s16 =	sshll.u32 s13, $0x3;
	s17 =	sand.u32 $0x78, s13  }
0xf: {  	s30 =	sand.u32 $0x7E00, s13;
	s12 =	sshll.u32 s12, $0xF;
	s16 =	sand.u32 $0xC00, s16  }
0x10: {  	[tilespmem:s15+$0x810 ss:$0x81] =	vst.msk $0xffff, v2;
	s31 =	sand.u32 $0x7, s13;
	s16 =	sor.u32 s17, s16;
	s17 =	sadd.s32 s3, s30  }
0x11: {  	[tilespmem:s15+$0x1020 ss:$0x81] =	vst.msk $0xffff, v0;
	s13 =	sshll.u32 s31, $0x12;
	s12 =	sadd.s32 s12, s17;
	s16 =	sshrl.u32 s16, $0x3  }
0x12: {  	[tilespmem:s15+$0x0 ss:$0x81] =	vst.msk $0xffff, v1;
	s13 =	sor.u32 $0x400, s13;
	s12 =	sadd.s32 s16, s12  }
0x13: {  	[hbm4b:s12+s13] =	stream.strided.scatter [tilespmem:s14], [sflag:$0x2], $0x2000, s8, s13, $0x20;
	[tilespmem:$0x8080] =	vst v63  }
.LBB1_5:
0x14: {  	s14 =	sadd.s32 $0x1, s9  }
0x15: {  	s12 =	sadd.s32 $0x1000, s10;
	s16 =	smov.u32 s10;
	p2 =	sgt.s32 s14, $0x31  }
0x16: {  	s16 =	smov.u32 @p2 s12  }
0x17: {  	s14 =	simm.s32 @p2 $0x0;
	p2 =	sgt.s32 s16, $0xFFF  }
0x18: {  	s16 =	smov.u32 @p2 s2;
	p2 =	sne.s32 s11, s7  }
.Ltmp1:
0x19: {  	p1 =	slt.u32 s11, $0x2;
	(pc) =	sbr.rel @!p2 .LBB1_6-.Ltmp1, $4  }
0x1a: {  	s15 =	simm.s32 @!p1 $0x2  }
0x1b: {  	s13 =	smov.u32 s10;
	p0 =	por !p0, !p0;
	_ =	swait.ge @!p1 [sflag:s15], $0x2000  }
0x1c: {  	s12 =	smov.u32 s9;
	[sflag:s15] =	ssyncset.done @!p1 $0x0;
	s9 =	smov.u32 s14  }
0x1d: {  	s11 =	sadd.s32 $0x1, s11;
	[sflag:s15] =	ssyncadd.s32 @!p1 $0xFFFFE000;
	s10 =	smov.u32 s16  }
.LBB1_1:
0x1e: {  	p1 =	sge.u32 s11, s5  }
0x1f: {  	s14 =	sand.u32 @!p1 $0x1FFFFFF, s9  }
0x20: {  	s15 =	smulhi.u32 @!p1 $0x4924925, s14;
	_ =	sdelay $0x1  }
0x21: {  	s15 =	smul.u32 @!p1 $0x38, s15  }
0x22: {  	s16 =	sxor.u32 @!p1 $0xFFFFFFFF, s11;
	s17 =	smul.u32 @!p1 $0x380, s10  }
0x23: {  	s31 =	sadd.s32 $0xFFFFFFFF, s11;
	s16 =	sshll.u32 @!p1 s16, $0xD;
	s14 =	ssub.s32 @!p1 s14, s15  }
0x24: {  	s15 =	sand.u32 @!p1 $0x2000, s16;
	s16 =	sadd.s32 @!p1 s6, s17;
	s14 =	sshll.u32 @!p1 s14, $0x4  }
0x25: {  	s17 =	simm.s32 @!p1 $0x1C00;
	s14 =	sadd.s32 @!p1 s14, s16;
	s16 =	simm.s32 @!p1 $0x40  }
0x26: {  	[tilespmem:s15], [sflag:$0x1] =	stream.strided.gather @!p1 [hbm4b:s14+s16], $0x2000, s17, s16, $0x38;
	[tilespmem:$0x8080] =	vst v63  }
0x27: {  	p1 =	sge.u32 s31, s5  }
.Ltmp2:
0x28: {  	_ = 	snop;
	(pc) =	sbr.rel @p1 .LBB1_5-.Ltmp2, $1  }
0x29: {  	_ =	sdelay $0x3  }
0x2a: {  	s14 =	simm.s32 $0x1  }
0x2b: {  	_ =	swait.ge [sflag:s4], $0x2000;
	s14 =	simm.s32 @!p0 $0x0  }
0x2c: {  	[sflag:s4] =	ssyncset.done $0x0;
	s15 =	sshll.u32 s14, $0xD  }
0x2d: {  	[sflag:s4] =	ssyncadd.s32 $0xFFFFE000;
	s18 =	sor.u32 $0x20, s15  }
0x2e: {  	s14 =	smul.u32 $0x8100, s14;
	v3 =	vld [tilespmem:s18+$0x10]  }
0x2f: {  	s30 =	sand.u32 $0x1, s11;
	v2 =	vld [tilespmem:s18+$0xFFFFFFF0]  }
0x30: {  	s15 =	smul.u32 $0x8100, s30;
	s14 =	sshrl.u32 s14, $0x2;
	v0 =	vld [tilespmem:s18+$0x0]  }
0x31: {  	v1 =	vld [tilespmem:s18+$0xFFFFFFE0];
	s16 =	sor.u32 $0x4000, s14  }
0x32: {  	s31 =	sshrl.u32 s15, $0x2;
	s15 =	sadd.s32 $0x0, s16  }
0x33: {  	s17 =	simm.s32 $0x4;
	s18 =	sadd.s32 $0x40, s18;
	s14 =	sor.u32 $0x4000, s31;
	[tilespmem:s15+$0x1830 ss:$0x81] =	vst.msk $0xffff, v3  }
.LBB1_3:
0x34: {  	v3 =	vld [tilespmem:s18+$0x10];
	p1 =	sne.s32 s17, $0x1FC;
	[tilespmem:s15+$0x810 ss:$0x81] =	vst.msk $0xffff, v2;
	s19 =	smov.u32 s17;
	s17 =	sadd.s32 $0x4, s17  }
.Ltmp3:
0x35: {  	v2 =	vld [tilespmem:s18+$0xFFFFFFF0];
	[tilespmem:s15+$0x1020 ss:$0x81] =	vst.msk $0xffff, v0;
	(pc) =	sbr.rel @p1 .LBB1_3-.Ltmp3, $4  }
0x36: {  	v0 =	vld [tilespmem:s18+$0x0];
	[tilespmem:s15+$0x0 ss:$0x81] =	vst.msk $0xffff, v1  }
0x37: {  	s15 =	sshra.s32 s19, $0x2;
	v1 =	vld [tilespmem:s18+$0xFFFFFFE0]  }
0x38: {  	s15 =	sadd.s32 s15, s16  }
0x39: {  	s18 =	sadd.s32 $0x40, s18;
	[tilespmem:s15+$0x1830 ss:$0x81] =	vst.msk $0xffff, v3  }
.Ltmp4:
0x3a: {  	_ = 	snop;
	(pc) =	sbr.rel .LBB1_4-.Ltmp4, $1  }
0x3b: {  	_ =	sdelay $0x3  }
.LBB1_6:
0x3c: {  	_ =	sfence.sel $0x180000  }
0x3d: {  	s2 =	simm.s32 $0x1;
	[bflag:$0x0] =	sbarrier.arrive $0xFFFF  }
0x3e: {  	s31 =	simm.s32 $0x2;
	[sflag:s2] =	ssyncpa.u1 $0x1  }
0x3f: {  	[sflag:s31] =	ssyncpa.u1 $0x1  }
0x40: {  	p0 =	sne.s32 s0, $0x0;
	_ =	strace $0x9000004A  }
0x41: {  	s0 =	sadd.s32 @!p0 $0x100000, s1;
	[bflag:$0x2] =	sbarrier.arrive $0xFFFF  }
0x42: {  	[sflag:s0] =	ssyncadd.tile.s32 @!p0 $0x1;
	_ =	shalt  }
.Lfunc_end1:
_tile_overlayer_lowered:
.L_overlay_start_2:
0x43: {  	(tag) =	ssettag $0x2  }
0x44: {  	s0 =	rddreg [dreg:$0x0];
	s2 =	stileid.u32  }
0x45: {  	s1 =	rddreg [dreg:$0x1];
	p0 =	sne.s32 s2, $0x0  }
0x46: {  	s3 =	rddreg [dreg:$0x2];
	[bflag:$0x3] =	sbarrier.arrive $0xFFFF;
	s2 =	simm.s32 @!p0 $0x1C01  }
0x47: {  	[timem:s3], [sflag:s2] =	dma.local @!p0 [hbm:s0], s1  }
0x48: {  	s0 =	simm.s32 @!p0 $0x1  }
0x49: {  	_ =	swait.ge @!p0 [sflag:s0], s1  }
0x4a: {  	s1 =	ssub.s32 @!p0 $0x0, s1;
	[sflag:s0] =	ssyncset.done @!p0 $0x0  }
0x4b: {  	[sflag:s0] =	ssyncadd.s32 @!p0 s1  }
0x4c: {  	[bflag:$0x3] =	sbarrier.arrive $0xFFFF  }
0x4d: {  	_ =	shalt  }

</sc_bundles>
